<compile_context>
chip_gen: v7x
topology: tpu7x:2x2x1
jax: 0.10.2.dev20260603
libtpu: 0.0.44.dev20260713+nightly
codegen_flags: <defaults>
</compile_context>

<pallas_src>
import functools

import jax
import jax.numpy as jnp
from jax import lax
from jax.experimental import pallas as pl
from jax.experimental.pallas import tpu as pltpu
from jax.experimental.pallas import tpu_sc as plsc

_N_SPARSE = 26
_N_DENSE = 13
_VOCAB = 100000
_EMB = 64
_BATCH = 4096
_NC, _NS = 2, 16
_NW = _NC * _NS
_BPW = _BATCH // _NW
_IPW = _N_SPARSE * _BPW
_OUT_D = _N_SPARSE * _EMB + _N_DENSE

_VC = 6400
_NCHUNK = -(-_VOCAB // _VC)

_mesh = plsc.VectorSubcoreMesh(
    core_axis_name="c", subcore_axis_name="s",
    num_cores=_NC, num_subcores=_NS,
)


def _reformat_body(in_ref, out_ref):
    x = in_ref[0]
    xt = x.T.reshape(_VC // 2, 2, _EMB)
    out_ref[0] = jnp.concatenate([xt[:, 0, :], xt[:, 1, :]], axis=1)


_tc_reformat = pl.pallas_call(
    _reformat_body,
    grid=(_N_SPARSE, _NCHUNK),
    in_specs=[pl.BlockSpec((1, _EMB, _VC), lambda i, c: (i, 0, c))],
    out_specs=pl.BlockSpec((1, _VC // 2, 2 * _EMB), lambda i, c: (i, c, 0)),
    out_shape=jax.ShapeDtypeStruct((_N_SPARSE, _VOCAB // 2, 2 * _EMB),
                                   jnp.float32),
    compiler_params=pltpu.CompilerParams(
        dimension_semantics=("parallel", "parallel")),
)


@functools.partial(
    pl.kernel,
    out_type=jax.ShapeDtypeStruct((_BATCH, _OUT_D), jnp.float32),
    mesh=_mesh,
    scratch_types=[
        pltpu.VMEM((_IPW,), jnp.int32),
        pltpu.VMEM((_BPW, _EMB), jnp.float32),
        pltpu.VMEM((_BPW, _N_DENSE), jnp.float32),
        pltpu.SemaphoreType.DMA,
    ],
    compiler_params=pltpu.CompilerParams(use_tc_tiling_on_sc=False),
)
def _sc_embed(tab_hbm, idx_hbm, dense_hbm, out_hbm, idx_v, rows_v, dense_v, sem):
    wid = lax.axis_index("s") * _NC + lax.axis_index("c")
    base = wid * _BPW

    pltpu.sync_copy(idx_hbm.at[pl.ds(wid * _IPW, _IPW)], idx_v)

    pltpu.sync_copy(dense_hbm.at[pl.ds(base, _BPW), :], dense_v)
    pltpu.sync_copy(dense_v,
                    out_hbm.at[pl.ds(base, _BPW),
                               pl.ds(_N_SPARSE * _EMB, _N_DENSE)])

    def body(i, carry):
        pltpu.async_copy(tab_hbm.at[idx_v.at[pl.ds(i * _BPW, _BPW)]],
                         rows_v, sem).wait()
        pltpu.sync_copy(rows_v,
                        out_hbm.at[pl.ds(base, _BPW), pl.ds(i * _EMB, _EMB)])
        return carry

    lax.fori_loop(0, _N_SPARSE, body, 0)


def kernel(inputs, tables):
    sp = inputs[:, :_N_SPARSE].astype(jnp.int32)
    gidx = (jnp.transpose(sp)
            + (jnp.arange(_N_SPARSE, dtype=jnp.int32) * _VOCAB)[:, None])
    idx1d = gidx.reshape(_N_SPARSE, _NW, _BPW).transpose(1, 0, 2).reshape(-1)
    tab_t = tables.transpose(0, 2, 1)
    tab_pairs = _tc_reformat(tab_t)
    tab_flat = tab_pairs.reshape(_N_SPARSE * _VOCAB, _EMB)
    dense = inputs[:, _N_SPARSE:]
    return _sc_embed(tab_flat, idx1d, dense)

# --- scband reference (transcript-rebuilt; emitter-appended) ---
"""Pipeline reference for scband-sparse-dense-feature-3066606649827 (READ-ONLY COPY).

The authoritative reference and input builder live on the scoring server;
editing this copy changes nothing except your own understanding.
"""

import jax, jax.numpy as jnp
import numpy as np

N_SPARSE = 26
N_DENSE = 13
VOCAB = 100000
EMB = 64
BATCH = 4096


def setup_inputs(seed: int = 0) -> dict:
    key = jax.random.key(seed)
    k1, k2, k3 = jax.random.split(key, 3)
    # first 26 columns are sparse categorical indices (stored as floats, cast in forward),
    # last 13 columns are dense features
    sparse_cols = jax.random.randint(k1, (BATCH, N_SPARSE), 0, VOCAB).astype(jnp.float32)
    dense_cols = jax.random.randint(k2, (BATCH, N_DENSE), 0, VOCAB).astype(jnp.float32)
    inputs = jnp.concatenate([sparse_cols, dense_cols], axis=1)
    # one embedding table per sparse field, stacked: [N_SPARSE, VOCAB, EMB]
    tables = jax.random.normal(k3, (N_SPARSE, VOCAB, EMB), dtype=jnp.float32) * 0.02
    return {"inputs": inputs, "tables": tables}


def reference(inputs, tables):
    sparse_idx = inputs[:, :N_SPARSE].astype(jnp.int32)
    sparse_embed_list = []
    for i in range(N_SPARSE):
        sparse_embed_list.append(jnp.take(tables[i], sparse_idx[:, i], axis=0))
    dense_embed_list = []
    for j in range(N_DENSE):
        dense_embed_list.append(inputs[:, N_SPARSE + j][:, None])
    sparse_embed = jnp.concatenate(sparse_embed_list, axis=1)
    dense_embed = jnp.concatenate(dense_embed_list, axis=1)
    h = jnp.concatenate([sparse_embed, dense_embed], axis=1).astype(jnp.float32)
    return h

if __name__ == "__main__":
    import jax
    _d = setup_inputs()
    print(jax.jit(kernel)(*tuple(_d.values())))

</pallas_src>

<mosaic_0001>
#map = affine_map<(d0, d1) -> (0, 0)>
#map1 = affine_map<(d0, d1) -> (0)>
module attributes {stable_mosaic.version = 14 : i64} {
  func.func @_sc_embed(%arg0: i32, %arg1: i32, %arg2: memref<2600000x64xf32, #tpu.memory_space<hbm>>, %arg3: memref<106496xi32, #tpu.memory_space<hbm>>, %arg4: memref<4096x13xf32, #tpu.memory_space<hbm>>, %arg5: memref<4096x1677xf32, #tpu.memory_space<hbm>>, %arg6: memref<3328xi32, #tpu.memory_space<vmem>>, %arg7: memref<128x64xf32, #tpu.memory_space<vmem>>, %arg8: memref<128x13xf32, #tpu.memory_space<vmem>>, %arg9: memref<!tpu.dma_semaphore, #tpu.memory_space<semaphore_mem>>) attributes {dimension_semantics = [#tpu.dimension_semantics<core_parallel>, #tpu.dimension_semantics<subcore_parallel>], iteration_bounds = array<i64: 2, 16>, scalar_prefetch = 0 : i64, scratch_operands = 4 : i64, tpu.core_type = #tpu.core_type<sc_vector_subcore>, window_params = [{transform_indices = #map}, {transform_indices = #map1}, {transform_indices = #map}, {transform_indices = #map}]} {
    %mul3A = arith.constant 2 : i32
    %mul3A_0 = arith.muli %arg1, %mul3A : i32
    %add3A = arith.addi %mul3A_0, %arg0 : i32
    %mul3A_1 = arith.constant 128 : i32
    %mul3A_2 = arith.muli %add3A, %mul3A_1 : i32
    %mul3A_3 = arith.constant 3328 : i32
    %mul3A_4 = arith.muli %add3A, %mul3A_3 : i32
    "tpu.region"() ({
      %run_scoped3A = tpu.sem_alloc : memref<!tpu.dma_semaphore, #tpu.memory_space<semaphore_mem>>
      %dma_start3A = tpu.memref_slice %arg3[%mul3A_4] : memref<106496xi32, #tpu.memory_space<hbm>> -> memref<3328xi32, #tpu.memory_space<hbm>>
      %dma_start3A_10 = tpu.memref_slice %arg3[%mul3A_4] : memref<106496xi32, #tpu.memory_space<hbm>> -> memref<3328xi32, #tpu.memory_space<hbm>>
      tpu.enqueue_dma source(%dma_start3A_10 : memref<3328xi32, #tpu.memory_space<hbm>>) target(%arg6 : memref<3328xi32, #tpu.memory_space<vmem>>) target_semaphore(%run_scoped3A : memref<!tpu.dma_semaphore, #tpu.memory_space<semaphore_mem>>)
      %dma_wait3A = tpu.memref_slice %arg3[%mul3A_4] : memref<106496xi32, #tpu.memory_space<hbm>> -> memref<3328xi32, #tpu.memory_space<hbm>>
      %dma_wait3A_11 = tpu.memref_slice %arg3[%mul3A_4] : memref<106496xi32, #tpu.memory_space<hbm>> -> memref<3328xi32, #tpu.memory_space<hbm>>
      tpu.wait_dma2 semaphore(%run_scoped3A : memref<!tpu.dma_semaphore, #tpu.memory_space<semaphore_mem>>) src(%dma_wait3A_11 : memref<3328xi32, #tpu.memory_space<hbm>>) dst(%arg6 : memref<3328xi32, #tpu.memory_space<vmem>>)
      tpu.yield
    }) : () -> ()
    "tpu.region"() ({
      %run_scoped3A = tpu.sem_alloc : memref<!tpu.dma_semaphore, #tpu.memory_space<semaphore_mem>>
      %dma_start3A = arith.constant 0 : i32
      %dma_start3A_10 = tpu.memref_slice %arg4[%mul3A_2, %dma_start3A] : memref<4096x13xf32, #tpu.memory_space<hbm>> -> memref<128x13xf32, #tpu.memory_space<hbm>>
      %dma_start3A_11 = arith.constant 0 : i32
      %dma_start3A_12 = tpu.memref_slice %arg4[%mul3A_2, %dma_start3A_11] : memref<4096x13xf32, #tpu.memory_space<hbm>> -> memref<128x13xf32, #tpu.memory_space<hbm>>
      tpu.enqueue_dma source(%dma_start3A_12 : memref<128x13xf32, #tpu.memory_space<hbm>>) target(%arg8 : memref<128x13xf32, #tpu.memory_space<vmem>>) target_semaphore(%run_scoped3A : memref<!tpu.dma_semaphore, #tpu.memory_space<semaphore_mem>>)
      %dma_wait3A = arith.constant 0 : i32
      %dma_wait3A_13 = tpu.memref_slice %arg4[%mul3A_2, %dma_wait3A] : memref<4096x13xf32, #tpu.memory_space<hbm>> -> memref<128x13xf32, #tpu.memory_space<hbm>>
      %dma_wait3A_14 = arith.constant 0 : i32
      %dma_wait3A_15 = tpu.memref_slice %arg4[%mul3A_2, %dma_wait3A_14] : memref<4096x13xf32, #tpu.memory_space<hbm>> -> memref<128x13xf32, #tpu.memory_space<hbm>>
      tpu.wait_dma2 semaphore(%run_scoped3A : memref<!tpu.dma_semaphore, #tpu.memory_space<semaphore_mem>>) src(%dma_wait3A_15 : memref<128x13xf32, #tpu.memory_space<hbm>>) dst(%arg8 : memref<128x13xf32, #tpu.memory_space<vmem>>)
      tpu.yield
    }) : () -> ()
    "tpu.region"() ({
      %run_scoped3A = tpu.sem_alloc : memref<!tpu.dma_semaphore, #tpu.memory_space<semaphore_mem>>
      %dma_start3A = arith.constant 1664 : i32
      %dma_start3A_10 = tpu.memref_slice %arg5[%mul3A_2, %dma_start3A] : memref<4096x1677xf32, #tpu.memory_space<hbm>> -> memref<128x13xf32, #tpu.memory_space<hbm>>
      %dma_start3A_11 = arith.constant 1664 : i32
      %dma_start3A_12 = tpu.memref_slice %arg5[%mul3A_2, %dma_start3A_11] : memref<4096x1677xf32, #tpu.memory_space<hbm>> -> memref<128x13xf32, #tpu.memory_space<hbm>>
      tpu.enqueue_dma source(%arg8 : memref<128x13xf32, #tpu.memory_space<vmem>>) target(%dma_start3A_12 : memref<128x13xf32, #tpu.memory_space<hbm>>) target_semaphore(%run_scoped3A : memref<!tpu.dma_semaphore, #tpu.memory_space<semaphore_mem>>)
      %dma_wait3A = arith.constant 1664 : i32
      %dma_wait3A_13 = tpu.memref_slice %arg5[%mul3A_2, %dma_wait3A] : memref<4096x1677xf32, #tpu.memory_space<hbm>> -> memref<128x13xf32, #tpu.memory_space<hbm>>
      %dma_wait3A_14 = arith.constant 1664 : i32
      %dma_wait3A_15 = tpu.memref_slice %arg5[%mul3A_2, %dma_wait3A_14] : memref<4096x1677xf32, #tpu.memory_space<hbm>> -> memref<128x13xf32, #tpu.memory_space<hbm>>
      tpu.wait_dma2 semaphore(%run_scoped3A : memref<!tpu.dma_semaphore, #tpu.memory_space<semaphore_mem>>) src(%arg8 : memref<128x13xf32, #tpu.memory_space<vmem>>) dst(%dma_wait3A_15 : memref<128x13xf32, #tpu.memory_space<hbm>>)
      tpu.yield
    }) : () -> ()
    %scan3A = arith.constant 0 : i32
    %scan3A_5 = arith.constant 0 : i32
    %scan3A_6 = arith.constant 26 : i32
    %scan3A_7 = arith.addi %scan3A_5, %scan3A_6 : i32
    %scan3A_8 = arith.constant 1 : i32
    scf.for %scan3A_10 = %scan3A_5 to %scan3A_7 step %scan3A_8  : i32 {
      %mul3A_11 = arith.constant 128 : i32
      %mul3A_12 = arith.muli %scan3A_10, %mul3A_11 : i32
      %dma_start3A = tpu.memref_slice %arg6[%mul3A_12] : memref<3328xi32, #tpu.memory_space<vmem>> -> memref<128xi32, #tpu.memory_space<vmem>>
      %dma_start3A_13 = arith.constant 0 : i32
      %dma_start3A_14 = arith.constant 0 : i32
      %dma_start3A_15 = tpu.memref_slice %arg2[%dma_start3A_13, %dma_start3A_14] : memref<2600000x64xf32, #tpu.memory_space<hbm>> -> memref<2600000x64xf32, #tpu.memory_space<hbm>>
      tpu.enqueue_indirect_dma source(%dma_start3A_15 : memref<2600000x64xf32, #tpu.memory_space<hbm>>) target(%arg7 : memref<128x64xf32, #tpu.memory_space<vmem>>) offsets(%dma_start3A : memref<128xi32, #tpu.memory_space<vmem>>) semaphore(%arg9 : memref<!tpu.dma_semaphore, #tpu.memory_space<semaphore_mem>>)
      %dma_wait3A = tpu.memref_slice %arg6[%mul3A_12] : memref<3328xi32, #tpu.memory_space<vmem>> -> memref<128xi32, #tpu.memory_space<vmem>>
      %dma_wait3A_16 = arith.constant 0 : i32
      %dma_wait3A_17 = arith.constant 0 : i32
      %dma_wait3A_18 = tpu.memref_slice %arg2[%dma_wait3A_16, %dma_wait3A_17] : memref<2600000x64xf32, #tpu.memory_space<hbm>> -> memref<2600000x64xf32, #tpu.memory_space<hbm>>
      tpu.wait_indirect_dma semaphore(%arg9 : memref<!tpu.dma_semaphore, #tpu.memory_space<semaphore_mem>>) src(%dma_wait3A_18 : memref<2600000x64xf32, #tpu.memory_space<hbm>>) dst(%arg7 : memref<128x64xf32, #tpu.memory_space<vmem>>)
      %mul3A_19 = arith.constant 64 : i32
      %mul3A_20 = arith.muli %scan3A_10, %mul3A_19 : i32
      "tpu.region"() ({
        %run_scoped3A = tpu.sem_alloc : memref<!tpu.dma_semaphore, #tpu.memory_space<semaphore_mem>>
        %dma_start3A_21 = tpu.memref_slice %arg5[%mul3A_2, %mul3A_20] : memref<4096x1677xf32, #tpu.memory_space<hbm>> -> memref<128x64xf32, #tpu.memory_space<hbm>>
        %dma_start3A_22 = tpu.memref_slice %arg5[%mul3A_2, %mul3A_20] : memref<4096x1677xf32, #tpu.memory_space<hbm>> -> memref<128x64xf32, #tpu.memory_space<hbm>>
        tpu.enqueue_dma source(%arg7 : memref<128x64xf32, #tpu.memory_space<vmem>>) target(%dma_start3A_22 : memref<128x64xf32, #tpu.memory_space<hbm>>) target_semaphore(%run_scoped3A : memref<!tpu.dma_semaphore, #tpu.memory_space<semaphore_mem>>)
        %dma_wait3A_23 = tpu.memref_slice %arg5[%mul3A_2, %mul3A_20] : memref<4096x1677xf32, #tpu.memory_space<hbm>> -> memref<128x64xf32, #tpu.memory_space<hbm>>
        %dma_wait3A_24 = tpu.memref_slice %arg5[%mul3A_2, %mul3A_20] : memref<4096x1677xf32, #tpu.memory_space<hbm>> -> memref<128x64xf32, #tpu.memory_space<hbm>>
        tpu.wait_dma2 semaphore(%run_scoped3A : memref<!tpu.dma_semaphore, #tpu.memory_space<semaphore_mem>>) src(%arg7 : memref<128x64xf32, #tpu.memory_space<vmem>>) dst(%dma_wait3A_24 : memref<128x64xf32, #tpu.memory_space<hbm>>)
        tpu.yield
      }) : () -> ()
    }
    %scan3A_9 = arith.constant 26 : i32
    return
  }
}

module attributes {stable_mosaic.version = 14 : i64} {
  func.func @_reformat_body(%arg0: i32, %arg1: i32, %arg2: memref<1x64x6400xf32, #tpu.memory_space<vmem>>, %arg3: memref<1x3200x128xf32, #tpu.memory_space<vmem>>) attributes {dimension_semantics = [#tpu.dimension_semantics<parallel>, #tpu.dimension_semantics<parallel>], iteration_bounds = array<i64: 26, 16>, scalar_prefetch = 0 : i64, scratch_operands = 0 : i64, tpu.core_type = #tpu.core_type<tc>, window_params = [{transform_indices = @transform_0, window_bounds = array<i64: 1, 64, 6400>}, {transform_indices = @transform_1, window_bounds = array<i64: 1, 3200, 128>}]} {
    %get3A = arith.constant 0 : index
    %get3A_0 = arith.constant 0 : index
    %get3A_1 = arith.constant 0 : index
    %get3A_2 = vector.load %arg2[%get3A, %get3A_0, %get3A_1] : memref<1x64x6400xf32, #tpu.memory_space<vmem>>, vector<1x64x6400xf32>
    %get3A_3 = vector.shape_cast %get3A_2 : vector<1x64x6400xf32> to vector<64x6400xf32>
    %transpose3A = tpu.transpose %get3A_3, [1, 0] : vector<64x6400xf32> -> vector<6400x64xf32>
    %reshape3A = vector.shape_cast %transpose3A : vector<6400x64xf32> to vector<3200x2x64xf32>
    %slice3A = vector.extract_strided_slice %reshape3A {offsets = [0, 0, 0], sizes = [3200, 1, 64], strides = [1, 1, 1]} : vector<3200x2x64xf32> to vector<3200x1x64xf32>
    %squeeze3A = vector.shape_cast %slice3A : vector<3200x1x64xf32> to vector<3200x64xf32>
    %slice3A_4 = vector.extract_strided_slice %reshape3A {offsets = [0, 1, 0], sizes = [3200, 1, 64], strides = [1, 1, 1]} : vector<3200x2x64xf32> to vector<3200x1x64xf32>
    %squeeze3A_5 = vector.shape_cast %slice3A_4 : vector<3200x1x64xf32> to vector<3200x64xf32>
    %concatenate3A = tpu.concatenate %squeeze3A, %squeeze3A_5 in 1 : vector<3200x64xf32>, vector<3200x64xf32> -> vector<3200x128xf32>
    %swap3A = arith.constant 0 : index
    %swap3A_6 = arith.constant 0 : index
    %swap3A_7 = arith.constant 0 : index
    %swap3A_8 = vector.load %arg3[%swap3A, %swap3A_6, %swap3A_7] : memref<1x3200x128xf32, #tpu.memory_space<vmem>>, vector<1x3200x128xf32>
    %swap3A_9 = vector.shape_cast %swap3A_8 : vector<1x3200x128xf32> to vector<3200x128xf32>
    %swap3A_10 = vector.shape_cast %concatenate3A : vector<3200x128xf32> to vector<1x3200x128xf32>
    tpu.vector_store %arg3[%swap3A, %swap3A_6, %swap3A_7], %swap3A_10 {strides = array<i32>} : memref<1x3200x128xf32, #tpu.memory_space<vmem>>, vector<1x3200x128xf32>,
    return
  }
  func.func @transform_0(%arg0: i32, %arg1: i32) -> (i32, i32, i32) {
    %c0_i32 = arith.constant 0 : i32
    %c0_i32_0 = arith.constant 0 : i32
    return %arg0, %c0_i32, %arg1 : i32, i32, i32
  }
  func.func @transform_1(%arg0: i32, %arg1: i32) -> (i32, i32, i32) {
    %c0_i32 = arith.constant 0 : i32
    %c0_i32_0 = arith.constant 0 : i32
    return %arg0, %arg1, %c0_i32 : i32, i32, i32
  }
}

</mosaic_0001>

<sc_bundles>
// kernel: kernel.4.cloned.1.call-start
scs
__scs_entry_jumppad:
0x0: {  	(pc) =	sbr.rel $0x88, $3  }
0x1: {  	(tag) =	ssettag $0x0;
	lr =	simm.s32 $0x1  }
0x2: {  	[smem:$0x3F9F] =	sst lr;
	_ =	strace $0xD0000000  }
0x3: {  	_ = 	snop  }
0x4: {  	_ = 	snop  }
0x5: {  	_ = 	snop  }
0x6: {  	_ = 	snop  }
0x7: {  	_ = 	snop  }
__scs_overlays_trampoline_lowered:
0x8: {  	[smem:$0x3FAE] =	sst s0  }
0x9: {  	[smem:$0x3FAF] =	sst s1  }
0xa: {  	[smem:$0x3FB0] =	sst s2  }
0xb: {  	[smem:$0x3FB1] =	sst s3  }
0xc: {  	[smem:$0x3FB2] =	sst s4  }
0xd: {  	[smem:$0x3FB3] =	sst s5  }
0xe: {  	[smem:$0x3FB4] =	sst s6  }
0xf: {  	[smem:$0x3FB5] =	sst s7  }
0x10: {  	[smem:$0x3FB6] =	sst s8  }
0x11: {  	[smem:$0x3FB7] =	sst s9;
	s0 =	simm.s32 @!p0 $0x0  }
0x12: {  	s1 =	sld [smem:$0x3F9D];
	s0 =	simm.s32 @p0 $0x1  }
0x13: {  	[smem:$0x3FB8] =	sst s0;
	s0 =	simm.s32 @!p1 $0x0  }
0x14: {  	s2 =	sld [smem:$0x3F9C];
	s0 =	simm.s32 @p1 $0x1  }
0x15: {  	[smem:$0x3FB9] =	sst s0;
	s0 =	simm.s32 @!p2 $0x0  }
0x16: {  	s3 =	sld [smem:$0x3FDB];
	s0 =	simm.s32 @p2 $0x1  }
0x17: {  	s4 =	simm.s32 $0x1BF5;
	[smem:$0x3FBB] =	sst s0  }
0x18: {  	s0 =	sld [smem:$0x3F9E];
	_ =	swait.ge [sflag:s4], $0x0  }
0x19: {  	s7 =	sld [smem:$0x3F9F]  }
0x1a: {  	s8 =	sadd.s32 $0xFFFFE003, lr  }
0x1b: {  	s9 =	sadd.s32 $0xFFFFFEF7, lr;
	s5 =	simm.s32 $0xFFFFFFFF;
	p2 =	slt.u32 s8, $0xFFFFF086  }
0x1c: {  	p1 =	slt.u32 s9, $0xF7A;
	s5 =	simm.s32 @!p2 $0x0  }
0x1d: {  	s5 =	simm.s32 @p1 $0x1;
	p0 =	seq.s32 s7, s2  }
0x1e: {  	s7 =	smul.u32 @!p0 $0xF7A, s2;
	p2 =	seq.s32 @!p0 s5, $0x0  }
0x1f: {  	s9 =	smul.u32 $0xF7A, s1;
	s8 =	simm.s32 @!p0 $0x1BF5;
	p2 =	por !p2, p0  }
0x20: {  	[sflag:s8] =	ssyncset.s32 @!p0 $0xFFFFF086;
	s6 =	sadd.s32 @!p0 s3, s7;
	s7 =	simm.s32 @!p0 $0x108  }
0x21: {  	s3 =	sadd.s32 s3, s9;
	s6 =	sadd.s32 @!p0 $0x88, s6;
	s7 =	simm.s32 @p2 $0x1082  }
0x22: {  	[simem:s7], [sflag:s8] =	dma.local @!p0 [hbm:s6], $0xF7A  }
0x23: {  	s9 =	sor.u32 $0xD0000000, s2;
	s6 =	simm.s32 $0x108;
	_ =	swait.ge @!p0 [sflag:s8], $0x0  }
0x24: {  	s3 =	sadd.s32 $0x88, s3;
	s6 =	simm.s32 @!p1 $0x1082;
	[sflag:s4] =	ssyncset.s32 $0xFFFFF086  }
0x25: {  	[simem:s6], [sflag:s4] =	dma.local [hbm:s3], $0xF7A  }
0x26: {  	[smem:$0x3F9F] =	sst s1;
	(tag) =	ssettag s2;
	_ =	strace s9  }
0x27: {  	s1 =	sld [smem:$0x3FAF]  }
0x28: {  	s2 =	sld [smem:$0x3FB0]  }
0x29: {  	s4 =	sld [smem:$0x3FB2]  }
0x2a: {  	p0 =	seq.s32 s5, $0x0;
	s5 =	sld [smem:$0x3FB3]  }
0x2b: {  	s6 =	sld [smem:$0x3FB4]  }
0x2c: {  	s7 =	sld [smem:$0x3FB5]  }
0x2d: {  	s3 =	simm.s32 $0x108;
	s8 =	sld [smem:$0x3FB6]  }
0x2e: {  	s3 =	simm.s32 @!p0 $0x1082;
	s9 =	sld [smem:$0x3FB7]  }
0x2f: {  	lr =	sadd.s32 s0, s3;
	s0 =	sld [smem:$0x3FAE]  }
0x30: {  	s3 =	sld [smem:$0x3FB1]  }
0x31: {  	[smem:$0x3FBA] =	sst s10  }
0x32: {  	s10 =	sld [smem:$0x3FB8];
	_ =	sdelay $0x3  }
0x33: {  	p0 =	seq.s32 s10, $0x1;
	s10 =	sld [smem:$0x3FBA];
	_ =	sdelay $0x3  }
0x34: {  	[smem:$0x3FBA] =	sst s10  }
0x35: {  	s10 =	sld [smem:$0x3FB9];
	_ =	sdelay $0x3  }
0x36: {  	p1 =	seq.s32 s10, $0x1;
	s10 =	sld [smem:$0x3FBA];
	_ =	sdelay $0x3  }
0x37: {  	[smem:$0x3FBA] =	sst s10  }
0x38: {  	s10 =	sld [smem:$0x3FBB]  }
0x39: {  	_ = 	snop;
	(pc) =	sbr.ind lr, $3  }
0x3a: {  	_ = 	snop  }
0x3b: {  	_ = 	snop  }
0x3c: {  	p2 =	seq.s32 s10, $0x1;
	s10 =	sld [smem:$0x3FBA]  }
0x3d: {  	_ =	shalt  }
0x3e: {  	_ =	shalt  }
0x3f: {  	_ =	shalt  }
0x40: {  	_ =	shalt  }
0x41: {  	_ =	shalt  }
0x42: {  	_ =	shalt  }
0x43: {  	_ =	shalt  }
0x44: {  	_ =	shalt  }
0x45: {  	_ =	shalt  }
0x46: {  	_ =	shalt  }
0x47: {  	_ =	shalt  }
0x48: {  	_ =	shalt  }
0x49: {  	_ =	shalt  }
0x4a: {  	_ =	shalt  }
0x4b: {  	_ =	shalt  }
0x4c: {  	_ =	shalt  }
0x4d: {  	_ =	shalt  }
0x4e: {  	_ =	shalt  }
0x4f: {  	_ =	shalt  }
0x50: {  	_ =	shalt  }
0x51: {  	_ =	shalt  }
0x52: {  	_ =	shalt  }
0x53: {  	_ =	shalt  }
0x54: {  	_ =	shalt  }
0x55: {  	_ =	shalt  }
0x56: {  	_ =	shalt  }
0x57: {  	_ =	shalt  }
0x58: {  	_ =	shalt  }
0x59: {  	_ =	shalt  }
0x5a: {  	_ =	shalt  }
0x5b: {  	_ =	shalt  }
0x5c: {  	_ =	shalt  }
0x5d: {  	_ =	shalt  }
0x5e: {  	_ =	shalt  }
0x5f: {  	_ =	shalt  }
0x60: {  	_ =	shalt  }
0x61: {  	_ =	shalt  }
0x62: {  	_ =	shalt  }
0x63: {  	_ =	shalt  }
0x64: {  	_ =	shalt  }
0x65: {  	_ =	shalt  }
0x66: {  	_ =	shalt  }
0x67: {  	_ =	shalt  }
0x68: {  	_ =	shalt  }
0x69: {  	_ =	shalt  }
0x6a: {  	_ =	shalt  }
0x6b: {  	_ =	shalt  }
0x6c: {  	_ =	shalt  }
0x6d: {  	_ =	shalt  }
0x6e: {  	_ =	shalt  }
0x6f: {  	_ =	shalt  }
0x70: {  	_ =	shalt  }
0x71: {  	_ =	shalt  }
0x72: {  	_ =	shalt  }
0x73: {  	_ =	shalt  }
0x74: {  	_ =	shalt  }
0x75: {  	_ =	shalt  }
0x76: {  	_ =	shalt  }
0x77: {  	_ =	shalt  }
0x78: {  	_ =	shalt  }
0x79: {  	_ =	shalt  }
0x7a: {  	_ =	shalt  }
0x7b: {  	_ =	shalt  }
0x7c: {  	_ =	shalt  }
0x7d: {  	_ =	shalt  }
0x7e: {  	_ =	shalt  }
0x7f: {  	_ =	shalt  }
0x80: {  	_ =	shalt  }
0x81: {  	_ =	shalt  }
0x82: {  	_ =	shalt  }
0x83: {  	_ =	shalt  }
0x84: {  	_ =	shalt  }
0x85: {  	_ =	shalt  }
0x86: {  	_ =	shalt  }
0x87: {  	_ =	shalt  }
.Lfunc_end0:
.L_simem_size_0:
called_computation_lowered:
.L_overlay_start_0:
0x88: {  	s2 =	sld [smem:$0x3FD9]  }
0x89: {  	s3 =	sld [smem:$0x3FFE];
	_ =	sdelay $0x1  }
0x8a: {  	s1 =	srdreg.scid  }
0x8b: {  	s0 =	sand.u32 $0x1, s1  }
0x8c: {  	s17 =	sshll.u32 s0, $0xA;
	s2 =	sadd.s32 s3, s2  }
0x8d: {  	s2 =	sadd.s32 s2, s17  }
0x8e: {  	[smem:$0x3FC6] =	sst s2  }
0x8f: {  	_ = 	snop  }
0x90: {  	s2 =	sld [smem:$0x3FD0];
	(tm) =	ssettm $0x1  }
0x91: {  	s18 =	sld [smem:$0x3FFB];
	_ =	sdelay $0x3  }
0x92: {  	_ =	strace s18  }
0x93: {  	s3 =	sld [smem:$0x3FFC];
	_ =	sdelay $0x3  }
0x94: {  	_ =	strace s3  }
0x95: {  	s3 =	sld [smem:$0x3FFD];
	_ =	sdelay $0x3  }
0x96: {  	_ =	strace s3  }
0x97: {  	_ =	strace $0x8FFFFFFF  }
0x98: {  	s19 =	sld [smem:$0x3FDB];
	_ =	sdelay $0x1  }
0x99: {  	s4 =	simm.s32 $_scs_section_size  }
0x9a: {  	s5 =	simm.s32 $_size__tile_overlayer_lowered;
	s6 =	simm.s32 $_tile_overlayer_lowered  }
0x9b: {  	s22 =	simm.s32 $0x1BFF;
	s21 =	sshll.u32 s6, $0x1;
	s3 =	sadd.s32 s4, s19  }
0x9c: {  	s7 =	simm.s32 $0x0;
	s20 =	sshll.u32 s5, $0x1;
	s5 =	sadd.s32 s21, s3  }
0x9d: {  	[timem:s7], [sflag:s22] =	dma.local [hbm:s5], s20  }
0x9e: {  	_ =	swait.ge [sflag:s22], s20  }
0x9f: {  	s4 =	ssub.s32 $0x0, s20;
	[sflag:s22] =	ssyncset.done $0x0  }
0xa0: {  	[sflag:s22] =	ssyncadd.s32 s4;
	_ =	sdelay $0x1  }
0xa1: {  	s23 =	simm.s32 $0x1B8B  }
0xa2: {  	_ =	swait.ge [sflag:s23], $0x1  }
0xa3: {  	[sflag:s23] =	ssyncset.done $0x0  }
0xa4: {  	s25 =	simm.s32 $0x1B8E;
	s24 =	sld [smem:$0x3FFE];
	[sflag:s23] =	ssyncadd.s32 $0xFFFFFFFF  }
0xa5: {  	s26 =	simm.s32 $execute0_lowered;
	[smem:$0x3FD2] =	sst s25  }
0xa6: {  	s5 =	sshll.u32 s26, $0x1;
	_ =	strace $0x80000046;
	[dreg:$0x1] =	wrdreg $0xFFFFFFFF  }
0xa7: {  	s28 =	simm.s32 $_size_execute0_lowered;
	s3 =	sadd.s32 s3, s5;
	[dreg:$0x0] =	wrdreg $0x0  }
0xa8: {  	s5 =	sshll.u32 s28, $0x1;
	[dreg:$0x2] =	wrdreg s3  }
0xa9: {  	[dreg:$0x3] =	wrdreg s5  }
0xaa: {  	[dreg:$0x4] =	wrdreg $0xC0  }
0xab: {  	_ =	task [dreg:s7], $0x5FFFF  }
0xac: {  	[dreg:$0x1] =	wrdreg $0xFFFFFFFF  }
0xad: {  	[dreg:$0x0] =	wrdreg $0x60  }
0xae: {  	[dreg:$0x2] =	wrdreg s24  }
0xaf: {  	[dreg:$0x3] =	wrdreg s2  }
0xb0: {  	[dreg:$0x4] =	wrdreg $0x9  }
0xb1: {  	_ =	task.clear_ibuf [dreg:s7], $0x5FFFF;
	_ =	strace $0x90000046  }
0xb2: {  	s29 =	simm.s32 $0x9;
	_ =	strace $0x80000048  }
0xb3: {  	_ =	swait.ge [sflag:s29], $0x1  }
0xb4: {  	[sflag:s29] =	ssyncadd.s32 $0xFFFFFFFF  }
0xb5: {  	_ =	strace $0x90000048  }
0xb6: {  	_ =	sfence  }
0xb7: {  	s30 =	sld [smem:$0x0];
	_ =	sdelay $0x2  }
0xb8: {  	s31 =	sshll.u32 s1, $0xD;
	s1 =	sshrl.u32 s1, $0x2  }
0xb9: {  	s3 =	sand.u32 $0x4000, s31;
	s1 =	sadd.s32 s1, s30  }
0xba: {  	s0 =	sor.u32 s3, s0;
	s1 =	sshll.u32 s1, $0x11  }
0xbb: {  	s0 =	sor.u32 s1, s0  }
0xbc: {  	s0 =	sadd.s32 $0x8F2B, s0  }
0xbd: {  	[sflag:s0] =	ssyncadd.remote.s32 $0x1  }
0xbe: {  	_ =	sfence.sel $0xFFFF  }
0xbf: {  	[dreg:$0x0] =	wrdreg $0xFFFFFFFF;
	(pc) =	sbr.abs _section_cstart, $3  }
0xc0: {  	[dreg:$0x1] =	wrdreg $0xFFFFFFFF  }
0xc1: {  	_ =	task.clear_ibuf [dreg:s7], $0x2FFFF;
	_ =	strace $0x9FFFFFFF  }
0xc2: {  	(tm) =	ssettm $0x7FFFFFFF  }
0xc3: {  	_ =	shalt  }
tec
execute0_lowered:
.L_overlay_start_1:
0x0: {  	(tag) =	ssettag $0x1  }
0x1: {  	s4 =	rddreg [dreg:$0x0]  }
0x2: {  	s1 =	srdreg.scid;
	s0 =	stileid.u32  }
0x3: {  	s8 =	rddreg [dreg:$0x1];
	s2 =	simm.s32 $0x0;
	s12 =	simm.s32 $0x690  }
0x4: {  	s13 =	simm.s32 $0x80;
	s14 =	simm.s32 $0xD00;
	s15 =	simm.s32 $0x1  }
0x5: {  	s16 =	simm.s32 $0x40;
	s5 =	sand.u32 $0x1, s1;
	s1 =	rddreg [dreg:$0x2]  }
0x6: {  	s17 =	simm.s32 $0x0;
	s3 =	sshll.u32 s0, $0x1;
	[smem:$0x7FF] =	sst s2  }
0x7: {  	s9 =	smul.u32 $0x69000, s0;
	s6 =	sor.u32 s5, s3;
	_ =	strace $0x80000047  }
0x8: {  	s3 =	sadd.s32 $0x5800, s4;
	s11 =	ssub.s32 $0x2, s5;
	s5 =	smul.u32 $0x34800, s5  }
0x9: {  	s7 =	smul.u32 $0x1A0, s6;
	s10 =	sshll.u32 s6, $0x8;
	s30 =	sshrl.u32 s11, $0x1  }
0xa: {  	s6 =	smul.u32 $0x6900, s6;
	s10 =	sadd.s32 s10, s4;
	s11 =	ssub.s32 s11, s30  }
0xb: {  	s31 =	sadd.s32 s5, s9;
	s7 =	sadd.s32 s7, s4;
	s5 =	sadd.s32 $0x3800, s10  }
0xc: {  	s6 =	sadd.s32 s6, s8;
	s9 =	sshrl.u32 s31, $0x3;
	s10 =	simm.s32 $0x2D00  }
0xd: {  	s4 =	sadd.s32 $0x400, s7;
	s6 =	sadd.s32 $0xD0, s6;
	s7 =	smax.u32 s11, $0x1  }
0xe: {  	s8 =	sadd.s32 s9, s8;
	s9 =	simm.s32 $0x2;
	s11 =	simm.s32 $0x10  }
.LBB2_1:
0xf: {  	[tilespmem:s2], [sflag:$0x2] =	stream.linear.gather [hbm4b:s4+s2], $0xD00, $0x38;
	[tilespmem:$0x3500] =	vst v63  }
0x10: {  	_ =	swait.ge [sflag:s9], $0xD00  }
0x11: {  	[sflag:s9] =	ssyncset.done $0x0  }
0x12: {  	[sflag:s9] =	ssyncadd.s32 $0xFFFFF300  }
0x13: {  	[tilespmem:s10], [sflag:$0x2] =	stream.linear.gather [hbm4b:s5+s2], $0x800, $0x38;
	[tilespmem:$0x3500] =	vst v63  }
0x14: {  	_ =	swait.ge [sflag:s9], $0x800  }
0x15: {  	[sflag:s9] =	ssyncset.done $0x0  }
0x16: {  	[sflag:s9] =	ssyncadd.s32 $0xFFFFF800  }
0x17: {  	[hbm4b:s6+s11] =	stream.strided.scatter [tilespmem:s10], [sflag:$0x2], $0x800, s12, s11, $0x38;
	[tilespmem:$0x3500] =	vst v63  }
0x18: {  	_ =	swait.ge [sflag:s9], $0x800  }
0x19: {  	[sflag:s9] =	ssyncset.done $0x0  }
0x1a: {  	[sflag:s9] =	ssyncadd.s32 $0xFFFFF800  }
0x1b: {  	[tilespmem:s14], [sflag:$0x1] =	stream.indirect.gather [hbm4b:s3+s13], $0x40, s2, s13, $0xb8;
	[tilespmem:$0x3500] =	vst v63  }
0x1c: {  	_ =	swait.ge [sflag:s15], $0x2000  }
0x1d: {  	[sflag:s15] =	ssyncset.done $0x0  }
0x1e: {  	s18 =	sadd.s32 $0x0, s8;
	[sflag:s15] =	ssyncadd.s32 $0xFFFFE000  }
0x1f: {  	[hbm4b:s18+s16] =	stream.strided.scatter [tilespmem:s14], [sflag:$0x2], $0x2000, s12, s16, $0x38;
	[tilespmem:$0x3500] =	vst v63  }
0x20: {  	_ =	swait.ge [sflag:s9], $0x2000  }
0x21: {  	s19 =	simm.s32 $0x0;
	s18 =	simm.s32 $0x8;
	[sflag:s9] =	ssyncset.done $0x0  }
.LBB2_2:
0x22: {  	p0 =	sne.s32 s18, $0xC8;
	[sflag:s9] =	ssyncadd.s32 $0xFFFFE000;
	s19 =	sadd.s32 $0x80, s19  }
0x23: {  	[tilespmem:s14], [sflag:$0x1] =	stream.indirect.gather [hbm4b:s3+s13], $0x40, s19, s13, $0xb8;
	[tilespmem:$0x3500] =	vst v63  }
0x24: {  	s20 =	smov.u32 s18;
	s18 =	sadd.s32 $0x8, s18;
	_ =	swait.ge [sflag:s15], $0x2000  }
.Ltmp0:
0x25: {  	[sflag:s15] =	ssyncset.done $0x0;
	(pc) =	sbr.rel @p0 .LBB2_2-.Ltmp0, $4  }
0x26: {  	s20 =	sadd.s32 s20, s8;
	[sflag:s15] =	ssyncadd.s32 $0xFFFFE000  }
0x27: {  	[hbm4b:s20+s16] =	stream.strided.scatter [tilespmem:s14], [sflag:$0x2], $0x2000, s12, s16, $0x38;
	[tilespmem:$0x3500] =	vst v63  }
0x28: {  	_ =	swait.ge [sflag:s9], $0x2000  }
0x29: {  	[sflag:s9] =	ssyncset.done $0x0  }
0x2a: {  	s17 =	sadd.s32 $0x1, s17  }
0x2b: {  	p0 =	sne.s32 s17, s7  }
.Ltmp1:
0x2c: {  	_ = 	snop;
	(pc) =	sbr.rel @p0 .LBB2_1-.Ltmp1, $2  }
0x2d: {  	_ =	sdelay $0x2  }
0x2e: {  	[sflag:s9] =	ssyncadd.s32 $0xFFFFE000  }
0x2f: {  	_ =	sfence.sel $0x180000  }
0x30: {  	[bflag:$0x0] =	sbarrier.arrive $0xFFFF  }
0x31: {  	p0 =	sne.s32 s0, $0x0;
	_ =	strace $0x90000047  }
0x32: {  	s0 =	sadd.s32 @!p0 $0x100000, s1;
	[bflag:$0x2] =	sbarrier.arrive $0xFFFF  }
0x33: {  	[sflag:s0] =	ssyncadd.tile.s32 @!p0 $0x1;
	_ =	shalt  }
.Lfunc_end2:
_tile_overlayer_lowered:
.L_overlay_start_2:
0x34: {  	(tag) =	ssettag $0x2  }
0x35: {  	s0 =	rddreg [dreg:$0x0];
	s2 =	stileid.u32  }
0x36: {  	s1 =	rddreg [dreg:$0x1];
	p0 =	sne.s32 s2, $0x0  }
0x37: {  	s3 =	rddreg [dreg:$0x2];
	[bflag:$0x3] =	sbarrier.arrive $0xFFFF;
	s2 =	simm.s32 @!p0 $0x1C02  }
0x38: {  	[timem:s3], [sflag:s2] =	dma.local @!p0 [hbm:s0], s1  }
0x39: {  	s0 =	simm.s32 @!p0 $0x2  }
0x3a: {  	_ =	swait.ge @!p0 [sflag:s0], s1  }
0x3b: {  	s1 =	ssub.s32 @!p0 $0x0, s1;
	[sflag:s0] =	ssyncset.done @!p0 $0x0  }
0x3c: {  	[sflag:s0] =	ssyncadd.s32 @!p0 s1  }
0x3d: {  	[bflag:$0x3] =	sbarrier.arrive $0xFFFF  }
0x3e: {  	_ =	shalt  }

</sc_bundles>
